<compile_context>
chip_gen: v7x
topology: tpu7x:2x2x1
jax: 0.10.2.dev20260603
libtpu: 0.0.44.dev20260713+nightly
codegen_flags: <defaults>
</compile_context>

<pallas_src>
import functools

import numpy as np

import jax
import jax.numpy as jnp
from jax import lax
from jax.experimental import pallas as pl
from jax.experimental.pallas import tpu as pltpu
from jax.experimental.pallas import tpu_sc as plsc

K = 100000
D = 16
B = 16384

_NW = 32
_BPW = B // _NW
_SUB = 8
_G1 = B // _SUB

_TC_ROWS = 4096
_TC_G = _TC_ROWS // _SUB

_KPAD = 102400
_MCOLS = 25600
_MROWS = _MCOLS // _SUB
_KTP = _KPAD // _SUB


_EX = np.zeros((D, 128), np.float32)
for _d in range(D):
  _EX[_d, _d::D] = 1.0
_MSK = np.zeros((_SUB, 128), np.float32)
for _s in range(_SUB):
  _MSK[_s, _s * D:(_s + 1) * D] = 1.0


def _repack_m_body(mt_ref, ex_ref, msk_ref, o_ref):
  rep = jax.lax.dot_general(
      mt_ref[...], ex_ref[...], (((0,), (0,)), ((), ())),
      preferred_element_type=jnp.float32)
  r3 = rep.reshape(_MROWS, _SUB, 128)
  z = r3 * msk_ref[...][None, :, :]
  o_ref[...] = jnp.sum(z, axis=1)


_repack_m = pl.pallas_call(
    _repack_m_body,
    grid=(_KPAD // _MCOLS,),
    in_specs=[
        pl.BlockSpec((D, _MCOLS), lambda i: (0, i)),
        pl.BlockSpec((D, 128), lambda i: (0, 0)),
        pl.BlockSpec((_SUB, 128), lambda i: (0, 0)),
    ],
    out_specs=pl.BlockSpec((_MROWS, 128), lambda i: (i, 0)),
    out_shape=jax.ShapeDtypeStruct((_KTP, 128), jnp.float32),
)


def _make_gather_kernel():
  mesh = plsc.VectorSubcoreMesh(core_axis_name="c", subcore_axis_name="s")

  @functools.partial(
      pl.kernel,
      mesh=mesh,
      compiler_params=pltpu.CompilerParams(use_tc_tiling_on_sc=False),
      out_type=jax.ShapeDtypeStruct((_G1, _SUB, 128), jnp.float32),
      scratch_types=[
          pltpu.VMEM((_BPW,), jnp.int32),
          pltpu.VMEM((_BPW // 2, D), jnp.float32),
          pltpu.VMEM((_BPW // 2, D), jnp.float32),
          pltpu.VMEM((_BPW // _SUB, _SUB, 128), jnp.float32),
          pltpu.SemaphoreType.DMA,
          pltpu.SemaphoreType.DMA,
      ],
  )
  def k(a_hbm, m_hbm, g_hbm, idx_v, rows0_v, rows1_v, pack_v, sem0, sem1):
    wid = lax.axis_index("s") * 2 + lax.axis_index("c")
    base = wid * _BPW
    half = _BPW // 2
    pltpu.sync_copy(a_hbm.at[pl.ds(base, _BPW)], idx_v)
    cp0 = pltpu.async_copy(m_hbm.at[idx_v.at[pl.ds(0, half)]], rows0_v, sem0)
    cp1 = pltpu.async_copy(m_hbm.at[idx_v.at[pl.ds(half, half)]], rows1_v,
                           sem1)

    def pack_chunk(rows_v, t0):
      def body(t, _):
        for j in range(_SUB):
          pack_v[t0 + t, j, pl.ds(0, D)] = rows_v[t * _SUB + j, :]
        return _
      lax.fori_loop(0, half // _SUB, body, 0)

    cp0.wait()
    pack_chunk(rows0_v, 0)
    cp1.wait()
    pack_chunk(rows1_v, half // _SUB)
    pltpu.sync_copy(pack_v, g_hbm.at[pl.ds(wid * (_BPW // _SUB), _BPW // _SUB)])

  return k


_gather = _make_gather_kernel()


def _dot_sigmoid_body(x_ref, g_ref, o_ref):
  g = g_ref[...][:, :, :D].reshape(_TC_ROWS, D)
  p = x_ref[...] * g
  z = jnp.sum(p, axis=1)
  o_ref[...] = 1.0 / (1.0 + jnp.exp(-z))


_dot_sigmoid = pl.pallas_call(
    _dot_sigmoid_body,
    grid=(B // _TC_ROWS,),
    in_specs=[
        pl.BlockSpec((_TC_ROWS, D), lambda i: (i, 0)),
        pl.BlockSpec((_TC_G, _SUB, 128), lambda i: (i, 0, 0)),
    ],
    out_specs=pl.BlockSpec((_TC_ROWS,), lambda i: (i,)),
    out_shape=jax.ShapeDtypeStruct((B,), jnp.float32),
)


@jax.jit
def kernel(X, A, m):
  m5 = _repack_m(m.T, jnp.asarray(_EX), jnp.asarray(_MSK)).reshape(_KPAD, D)
  g3 = _gather(A.astype(jnp.int32), m5)
  return _dot_sigmoid(X, g3)

# --- scband reference (transcript-rebuilt; emitter-appended) ---
"""Pipeline reference for scband-logistic-regression-17205638987946 (READ-ONLY COPY).

The authoritative reference and input builder live on the scoring server;
editing this copy changes nothing except your own understanding.
"""

import jax, jax.numpy as jnp
import numpy as np

K = 100000
D = 16
B = 16384

def setup_inputs(seed: int = 0) -> dict:
    key = jax.random.key(seed)
    k1, k2, k3 = jax.random.split(key, 3)
    X = jax.random.normal(k1, (B, D), dtype=jnp.float32)
    A = jax.random.randint(k2, (B,), 0, K, dtype=jnp.int64)
    # kaiming_uniform_ on m [K, D]: bound = sqrt(6 / fan_in), fan_in = D (default a=sqrt(5) gives gain-adjusted bound)
    gain = np.sqrt(2.0 / (1.0 + 5.0))
    bound = gain * np.sqrt(3.0 / D)
    m = jax.random.uniform(k3, (K, D), dtype=jnp.float32, minval=-bound, maxval=bound)
    return {"X": X, "A": A, "m": m}

def reference(X, A, m):
    # forward: sigmoid(sum(X * m[A], dim=1))
    gathered = jnp.take(m, A, axis=0)
    return jax.nn.sigmoid(jnp.sum(X * gathered, axis=1))

if __name__ == "__main__":
    import jax
    _d = setup_inputs()
    print(jax.jit(kernel)(*tuple(_d.values())))

</pallas_src>

<mosaic_0001>
#map = affine_map<(d0, d1) -> (0)>
#map1 = affine_map<(d0, d1) -> (0, 0)>
#map2 = affine_map<(d0, d1) -> (0, 0, 0)>
module attributes {stable_mosaic.version = 14 : i64} {
  func.func @k(%arg0: i32, %arg1: i32, %arg2: memref<16384xi32, #tpu.memory_space<hbm>>, %arg3: memref<102400x16xf32, #tpu.memory_space<hbm>>, %arg4: memref<2048x8x128xf32, #tpu.memory_space<hbm>>, %arg5: memref<512xi32, #tpu.memory_space<vmem>>, %arg6: memref<256x16xf32, #tpu.memory_space<vmem>>, %arg7: memref<256x16xf32, #tpu.memory_space<vmem>>, %arg8: memref<64x8x128xf32, #tpu.memory_space<vmem>>, %arg9: memref<!tpu.dma_semaphore, #tpu.memory_space<semaphore_mem>>, %arg10: memref<!tpu.dma_semaphore, #tpu.memory_space<semaphore_mem>>) attributes {dimension_semantics = [#tpu.dimension_semantics<core_parallel>, #tpu.dimension_semantics<subcore_parallel>], iteration_bounds = array<i64: 2, 16>, scalar_prefetch = 0 : i64, scratch_operands = 6 : i64, tpu.core_type = #tpu.core_type<sc_vector_subcore>, window_params = [{transform_indices = #map}, {transform_indices = #map1}, {transform_indices = #map2}]} {
    %mul3A = arith.constant 2 : i32
    %mul3A_0 = arith.muli %arg1, %mul3A : i32
    %add3A = arith.addi %mul3A_0, %arg0 : i32
    %mul3A_1 = arith.constant 512 : i32
    %mul3A_2 = arith.muli %add3A, %mul3A_1 : i32
    "tpu.region"() ({
      %run_scoped3A = tpu.sem_alloc : memref<!tpu.dma_semaphore, #tpu.memory_space<semaphore_mem>>
      %dma_start3A_34 = tpu.memref_slice %arg2[%mul3A_2] : memref<16384xi32, #tpu.memory_space<hbm>> -> memref<512xi32, #tpu.memory_space<hbm>>
      %dma_start3A_35 = tpu.memref_slice %arg2[%mul3A_2] : memref<16384xi32, #tpu.memory_space<hbm>> -> memref<512xi32, #tpu.memory_space<hbm>>
      tpu.enqueue_dma source(%dma_start3A_35 : memref<512xi32, #tpu.memory_space<hbm>>) target(%arg5 : memref<512xi32, #tpu.memory_space<vmem>>) target_semaphore(%run_scoped3A : memref<!tpu.dma_semaphore, #tpu.memory_space<semaphore_mem>>)
      %dma_wait3A_36 = tpu.memref_slice %arg2[%mul3A_2] : memref<16384xi32, #tpu.memory_space<hbm>> -> memref<512xi32, #tpu.memory_space<hbm>>
      %dma_wait3A_37 = tpu.memref_slice %arg2[%mul3A_2] : memref<16384xi32, #tpu.memory_space<hbm>> -> memref<512xi32, #tpu.memory_space<hbm>>
      tpu.wait_dma2 semaphore(%run_scoped3A : memref<!tpu.dma_semaphore, #tpu.memory_space<semaphore_mem>>) src(%dma_wait3A_37 : memref<512xi32, #tpu.memory_space<hbm>>) dst(%arg5 : memref<512xi32, #tpu.memory_space<vmem>>)
      tpu.yield
    }) : () -> ()
    %dma_start3A = arith.constant 0 : i32
    %dma_start3A_3 = tpu.memref_slice %arg5[%dma_start3A] : memref<512xi32, #tpu.memory_space<vmem>> -> memref<256xi32, #tpu.memory_space<vmem>>
    %dma_start3A_4 = arith.constant 0 : i32
    %dma_start3A_5 = arith.constant 0 : i32
    %dma_start3A_6 = tpu.memref_slice %arg3[%dma_start3A_4, %dma_start3A_5] : memref<102400x16xf32, #tpu.memory_space<hbm>> -> memref<102400x16xf32, #tpu.memory_space<hbm>>
    tpu.enqueue_indirect_dma source(%dma_start3A_6 : memref<102400x16xf32, #tpu.memory_space<hbm>>) target(%arg6 : memref<256x16xf32, #tpu.memory_space<vmem>>) offsets(%dma_start3A_3 : memref<256xi32, #tpu.memory_space<vmem>>) semaphore(%arg9 : memref<!tpu.dma_semaphore, #tpu.memory_space<semaphore_mem>>)
    %dma_start3A_7 = arith.constant 256 : i32
    %dma_start3A_8 = tpu.memref_slice %arg5[%dma_start3A_7] : memref<512xi32, #tpu.memory_space<vmem>> -> memref<256xi32, #tpu.memory_space<vmem>>
    %dma_start3A_9 = arith.constant 0 : i32
    %dma_start3A_10 = arith.constant 0 : i32
    %dma_start3A_11 = tpu.memref_slice %arg3[%dma_start3A_9, %dma_start3A_10] : memref<102400x16xf32, #tpu.memory_space<hbm>> -> memref<102400x16xf32, #tpu.memory_space<hbm>>
    tpu.enqueue_indirect_dma source(%dma_start3A_11 : memref<102400x16xf32, #tpu.memory_space<hbm>>) target(%arg7 : memref<256x16xf32, #tpu.memory_space<vmem>>) offsets(%dma_start3A_8 : memref<256xi32, #tpu.memory_space<vmem>>) semaphore(%arg10 : memref<!tpu.dma_semaphore, #tpu.memory_space<semaphore_mem>>)
    %dma_wait3A = arith.constant 0 : i32
    %dma_wait3A_12 = tpu.memref_slice %arg5[%dma_wait3A] : memref<512xi32, #tpu.memory_space<vmem>> -> memref<256xi32, #tpu.memory_space<vmem>>
    %dma_wait3A_13 = arith.constant 0 : i32
    %dma_wait3A_14 = arith.constant 0 : i32
    %dma_wait3A_15 = tpu.memref_slice %arg3[%dma_wait3A_13, %dma_wait3A_14] : memref<102400x16xf32, #tpu.memory_space<hbm>> -> memref<102400x16xf32, #tpu.memory_space<hbm>>
    tpu.wait_indirect_dma semaphore(%arg9 : memref<!tpu.dma_semaphore, #tpu.memory_space<semaphore_mem>>) src(%dma_wait3A_15 : memref<102400x16xf32, #tpu.memory_space<hbm>>) dst(%arg6 : memref<256x16xf32, #tpu.memory_space<vmem>>)
    %scan3A = arith.constant 0 : i32
    %scan3A_16 = arith.constant 0 : i32
    %scan3A_17 = arith.constant 32 : i32
    %scan3A_18 = arith.addi %scan3A_16, %scan3A_17 : i32
    %scan3A_19 = arith.constant 1 : i32
    scf.for %scan3A_34 = %scan3A_16 to %scan3A_18 step %scan3A_19  : i32 {
      %mul3A_35 = arith.constant 8 : i32
      %mul3A_36 = arith.muli %scan3A_34, %mul3A_35 : i32
      %add3A_37 = arith.constant 0 : i32
      %add3A_38 = arith.addi %mul3A_36, %add3A_37 : i32
      %get3A = arith.index_cast %add3A_38 : i32 to index
      %get3A_39 = arith.constant 0 : index
      %get3A_40 = tpu.vector_load %arg6[%get3A, %get3A_39] {strides = array<i32>} : memref<256x16xf32, #tpu.memory_space<vmem>>, vector<1x16xf32>,
      %get3A_41 = vector.shape_cast %get3A_40 : vector<1x16xf32> to vector<16xf32>
      %add3A_42 = arith.constant 0 : i32
      %add3A_43 = arith.addi %add3A_42, %scan3A_34 : i32
      %swap3A = arith.constant 0 : i32
      %swap3A_44 = arith.index_cast %add3A_43 : i32 to index
      %swap3A_45 = arith.index_cast %swap3A : i32 to index
      %swap3A_46 = arith.constant 0 : index
      %swap3A_47 = tpu.vector_load %arg8[%swap3A_44, %swap3A_45, %swap3A_46] {strides = array<i32>} : memref<64x8x128xf32, #tpu.memory_space<vmem>>, vector<1x1x16xf32>,
      %swap3A_48 = vector.shape_cast %swap3A_47 : vector<1x1x16xf32> to vector<16xf32>
      %swap3A_49 = vector.shape_cast %get3A_41 : vector<16xf32> to vector<1x1x16xf32>
      tpu.vector_store %arg8[%swap3A_44, %swap3A_45, %swap3A_46], %swap3A_49 {strides = array<i32>} : memref<64x8x128xf32, #tpu.memory_space<vmem>>, vector<1x1x16xf32>,
      %mul3A_50 = arith.constant 8 : i32
      %mul3A_51 = arith.muli %scan3A_34, %mul3A_50 : i32
      %add3A_52 = arith.constant 1 : i32
      %add3A_53 = arith.addi %mul3A_51, %add3A_52 : i32
      %get3A_54 = arith.index_cast %add3A_53 : i32 to index
      %get3A_55 = arith.constant 0 : index
      %get3A_56 = tpu.vector_load %arg6[%get3A_54, %get3A_55] {strides = array<i32>} : memref<256x16xf32, #tpu.memory_space<vmem>>, vector<1x16xf32>,
      %get3A_57 = vector.shape_cast %get3A_56 : vector<1x16xf32> to vector<16xf32>
      %add3A_58 = arith.constant 0 : i32
      %add3A_59 = arith.addi %add3A_58, %scan3A_34 : i32
      %swap3A_60 = arith.constant 1 : i32
      %swap3A_61 = arith.index_cast %add3A_59 : i32 to index
      %swap3A_62 = arith.index_cast %swap3A_60 : i32 to index
      %swap3A_63 = arith.constant 0 : index
      %swap3A_64 = tpu.vector_load %arg8[%swap3A_61, %swap3A_62, %swap3A_63] {strides = array<i32>} : memref<64x8x128xf32, #tpu.memory_space<vmem>>, vector<1x1x16xf32>,
      %swap3A_65 = vector.shape_cast %swap3A_64 : vector<1x1x16xf32> to vector<16xf32>
      %swap3A_66 = vector.shape_cast %get3A_57 : vector<16xf32> to vector<1x1x16xf32>
      tpu.vector_store %arg8[%swap3A_61, %swap3A_62, %swap3A_63], %swap3A_66 {strides = array<i32>} : memref<64x8x128xf32, #tpu.memory_space<vmem>>, vector<1x1x16xf32>,
      %mul3A_67 = arith.constant 8 : i32
      %mul3A_68 = arith.muli %scan3A_34, %mul3A_67 : i32
      %add3A_69 = arith.constant 2 : i32
      %add3A_70 = arith.addi %mul3A_68, %add3A_69 : i32
      %get3A_71 = arith.index_cast %add3A_70 : i32 to index
      %get3A_72 = arith.constant 0 : index
      %get3A_73 = tpu.vector_load %arg6[%get3A_71, %get3A_72] {strides = array<i32>} : memref<256x16xf32, #tpu.memory_space<vmem>>, vector<1x16xf32>,
      %get3A_74 = vector.shape_cast %get3A_73 : vector<1x16xf32> to vector<16xf32>
      %add3A_75 = arith.constant 0 : i32
      %add3A_76 = arith.addi %add3A_75, %scan3A_34 : i32
      %swap3A_77 = arith.constant 2 : i32
      %swap3A_78 = arith.index_cast %add3A_76 : i32 to index
      %swap3A_79 = arith.index_cast %swap3A_77 : i32 to index
      %swap3A_80 = arith.constant 0 : index
      %swap3A_81 = tpu.vector_load %arg8[%swap3A_78, %swap3A_79, %swap3A_80] {strides = array<i32>} : memref<64x8x128xf32, #tpu.memory_space<vmem>>, vector<1x1x16xf32>,
      %swap3A_82 = vector.shape_cast %swap3A_81 : vector<1x1x16xf32> to vector<16xf32>
      %swap3A_83 = vector.shape_cast %get3A_74 : vector<16xf32> to vector<1x1x16xf32>
      tpu.vector_store %arg8[%swap3A_78, %swap3A_79, %swap3A_80], %swap3A_83 {strides = array<i32>} : memref<64x8x128xf32, #tpu.memory_space<vmem>>, vector<1x1x16xf32>,
      %mul3A_84 = arith.constant 8 : i32
      %mul3A_85 = arith.muli %scan3A_34, %mul3A_84 : i32
      %add3A_86 = arith.constant 3 : i32
      %add3A_87 = arith.addi %mul3A_85, %add3A_86 : i32
      %get3A_88 = arith.index_cast %add3A_87 : i32 to index
      %get3A_89 = arith.constant 0 : index
      %get3A_90 = tpu.vector_load %arg6[%get3A_88, %get3A_89] {strides = array<i32>} : memref<256x16xf32, #tpu.memory_space<vmem>>, vector<1x16xf32>,
      %get3A_91 = vector.shape_cast %get3A_90 : vector<1x16xf32> to vector<16xf32>
      %add3A_92 = arith.constant 0 : i32
      %add3A_93 = arith.addi %add3A_92, %scan3A_34 : i32
      %swap3A_94 = arith.constant 3 : i32
      %swap3A_95 = arith.index_cast %add3A_93 : i32 to index
      %swap3A_96 = arith.index_cast %swap3A_94 : i32 to index
      %swap3A_97 = arith.constant 0 : index
      %swap3A_98 = tpu.vector_load %arg8[%swap3A_95, %swap3A_96, %swap3A_97] {strides = array<i32>} : memref<64x8x128xf32, #tpu.memory_space<vmem>>, vector<1x1x16xf32>,
      %swap3A_99 = vector.shape_cast %swap3A_98 : vector<1x1x16xf32> to vector<16xf32>
      %swap3A_100 = vector.shape_cast %get3A_91 : vector<16xf32> to vector<1x1x16xf32>
      tpu.vector_store %arg8[%swap3A_95, %swap3A_96, %swap3A_97], %swap3A_100 {strides = array<i32>} : memref<64x8x128xf32, #tpu.memory_space<vmem>>, vector<1x1x16xf32>,
      %mul3A_101 = arith.constant 8 : i32
      %mul3A_102 = arith.muli %scan3A_34, %mul3A_101 : i32
      %add3A_103 = arith.constant 4 : i32
      %add3A_104 = arith.addi %mul3A_102, %add3A_103 : i32
      %get3A_105 = arith.index_cast %add3A_104 : i32 to index
      %get3A_106 = arith.constant 0 : index
      %get3A_107 = tpu.vector_load %arg6[%get3A_105, %get3A_106] {strides = array<i32>} : memref<256x16xf32, #tpu.memory_space<vmem>>, vector<1x16xf32>,
      %get3A_108 = vector.shape_cast %get3A_107 : vector<1x16xf32> to vector<16xf32>
      %add3A_109 = arith.constant 0 : i32
      %add3A_110 = arith.addi %add3A_109, %scan3A_34 : i32
      %swap3A_111 = arith.constant 4 : i32
      %swap3A_112 = arith.index_cast %add3A_110 : i32 to index
      %swap3A_113 = arith.index_cast %swap3A_111 : i32 to index
      %swap3A_114 = arith.constant 0 : index
      %swap3A_115 = tpu.vector_load %arg8[%swap3A_112, %swap3A_113, %swap3A_114] {strides = array<i32>} : memref<64x8x128xf32, #tpu.memory_space<vmem>>, vector<1x1x16xf32>,
      %swap3A_116 = vector.shape_cast %swap3A_115 : vector<1x1x16xf32> to vector<16xf32>
      %swap3A_117 = vector.shape_cast %get3A_108 : vector<16xf32> to vector<1x1x16xf32>
      tpu.vector_store %arg8[%swap3A_112, %swap3A_113, %swap3A_114], %swap3A_117 {strides = array<i32>} : memref<64x8x128xf32, #tpu.memory_space<vmem>>, vector<1x1x16xf32>,
      %mul3A_118 = arith.constant 8 : i32
      %mul3A_119 = arith.muli %scan3A_34, %mul3A_118 : i32
      %add3A_120 = arith.constant 5 : i32
      %add3A_121 = arith.addi %mul3A_119, %add3A_120 : i32
      %get3A_122 = arith.index_cast %add3A_121 : i32 to index
      %get3A_123 = arith.constant 0 : index
      %get3A_124 = tpu.vector_load %arg6[%get3A_122, %get3A_123] {strides = array<i32>} : memref<256x16xf32, #tpu.memory_space<vmem>>, vector<1x16xf32>,
      %get3A_125 = vector.shape_cast %get3A_124 : vector<1x16xf32> to vector<16xf32>
      %add3A_126 = arith.constant 0 : i32
      %add3A_127 = arith.addi %add3A_126, %scan3A_34 : i32
      %swap3A_128 = arith.constant 5 : i32
      %swap3A_129 = arith.index_cast %add3A_127 : i32 to index
      %swap3A_130 = arith.index_cast %swap3A_128 : i32 to index
      %swap3A_131 = arith.constant 0 : index
      %swap3A_132 = tpu.vector_load %arg8[%swap3A_129, %swap3A_130, %swap3A_131] {strides = array<i32>} : memref<64x8x128xf32, #tpu.memory_space<vmem>>, vector<1x1x16xf32>,
      %swap3A_133 = vector.shape_cast %swap3A_132 : vector<1x1x16xf32> to vector<16xf32>
      %swap3A_134 = vector.shape_cast %get3A_125 : vector<16xf32> to vector<1x1x16xf32>
      tpu.vector_store %arg8[%swap3A_129, %swap3A_130, %swap3A_131], %swap3A_134 {strides = array<i32>} : memref<64x8x128xf32, #tpu.memory_space<vmem>>, vector<1x1x16xf32>,
      %mul3A_135 = arith.constant 8 : i32
      %mul3A_136 = arith.muli %scan3A_34, %mul3A_135 : i32
      %add3A_137 = arith.constant 6 : i32
      %add3A_138 = arith.addi %mul3A_136, %add3A_137 : i32
      %get3A_139 = arith.index_cast %add3A_138 : i32 to index
      %get3A_140 = arith.constant 0 : index
      %get3A_141 = tpu.vector_load %arg6[%get3A_139, %get3A_140] {strides = array<i32>} : memref<256x16xf32, #tpu.memory_space<vmem>>, vector<1x16xf32>,
      %get3A_142 = vector.shape_cast %get3A_141 : vector<1x16xf32> to vector<16xf32>
      %add3A_143 = arith.constant 0 : i32
      %add3A_144 = arith.addi %add3A_143, %scan3A_34 : i32
      %swap3A_145 = arith.constant 6 : i32
      %swap3A_146 = arith.index_cast %add3A_144 : i32 to index
      %swap3A_147 = arith.index_cast %swap3A_145 : i32 to index
      %swap3A_148 = arith.constant 0 : index
      %swap3A_149 = tpu.vector_load %arg8[%swap3A_146, %swap3A_147, %swap3A_148] {strides = array<i32>} : memref<64x8x128xf32, #tpu.memory_space<vmem>>, vector<1x1x16xf32>,
      %swap3A_150 = vector.shape_cast %swap3A_149 : vector<1x1x16xf32> to vector<16xf32>
      %swap3A_151 = vector.shape_cast %get3A_142 : vector<16xf32> to vector<1x1x16xf32>
      tpu.vector_store %arg8[%swap3A_146, %swap3A_147, %swap3A_148], %swap3A_151 {strides = array<i32>} : memref<64x8x128xf32, #tpu.memory_space<vmem>>, vector<1x1x16xf32>,
      %mul3A_152 = arith.constant 8 : i32
      %mul3A_153 = arith.muli %scan3A_34, %mul3A_152 : i32
      %add3A_154 = arith.constant 7 : i32
      %add3A_155 = arith.addi %mul3A_153, %add3A_154 : i32
      %get3A_156 = arith.index_cast %add3A_155 : i32 to index
      %get3A_157 = arith.constant 0 : index
      %get3A_158 = tpu.vector_load %arg6[%get3A_156, %get3A_157] {strides = array<i32>} : memref<256x16xf32, #tpu.memory_space<vmem>>, vector<1x16xf32>,
      %get3A_159 = vector.shape_cast %get3A_158 : vector<1x16xf32> to vector<16xf32>
      %add3A_160 = arith.constant 0 : i32
      %add3A_161 = arith.addi %add3A_160, %scan3A_34 : i32
      %swap3A_162 = arith.constant 7 : i32
      %swap3A_163 = arith.index_cast %add3A_161 : i32 to index
      %swap3A_164 = arith.index_cast %swap3A_162 : i32 to index
      %swap3A_165 = arith.constant 0 : index
      %swap3A_166 = tpu.vector_load %arg8[%swap3A_163, %swap3A_164, %swap3A_165] {strides = array<i32>} : memref<64x8x128xf32, #tpu.memory_space<vmem>>, vector<1x1x16xf32>,
      %swap3A_167 = vector.shape_cast %swap3A_166 : vector<1x1x16xf32> to vector<16xf32>
      %swap3A_168 = vector.shape_cast %get3A_159 : vector<16xf32> to vector<1x1x16xf32>
      tpu.vector_store %arg8[%swap3A_163, %swap3A_164, %swap3A_165], %swap3A_168 {strides = array<i32>} : memref<64x8x128xf32, #tpu.memory_space<vmem>>, vector<1x1x16xf32>,
    }
    %scan3A_20 = arith.constant 32 : i32
    %dma_wait3A_21 = arith.constant 256 : i32
    %dma_wait3A_22 = tpu.memref_slice %arg5[%dma_wait3A_21] : memref<512xi32, #tpu.memory_space<vmem>> -> memref<256xi32, #tpu.memory_space<vmem>>
    %dma_wait3A_23 = arith.constant 0 : i32
    %dma_wait3A_24 = arith.constant 0 : i32
    %dma_wait3A_25 = tpu.memref_slice %arg3[%dma_wait3A_23, %dma_wait3A_24] : memref<102400x16xf32, #tpu.memory_space<hbm>> -> memref<102400x16xf32, #tpu.memory_space<hbm>>
    tpu.wait_indirect_dma semaphore(%arg10 : memref<!tpu.dma_semaphore, #tpu.memory_space<semaphore_mem>>) src(%dma_wait3A_25 : memref<102400x16xf32, #tpu.memory_space<hbm>>) dst(%arg7 : memref<256x16xf32, #tpu.memory_space<vmem>>)
    %scan3A_26 = arith.constant 0 : i32
    %scan3A_27 = arith.constant 0 : i32
    %scan3A_28 = arith.constant 32 : i32
    %scan3A_29 = arith.addi %scan3A_27, %scan3A_28 : i32
    %scan3A_30 = arith.constant 1 : i32
    scf.for %scan3A_34 = %scan3A_27 to %scan3A_29 step %scan3A_30  : i32 {
      %mul3A_35 = arith.constant 8 : i32
      %mul3A_36 = arith.muli %scan3A_34, %mul3A_35 : i32
      %add3A_37 = arith.constant 0 : i32
      %add3A_38 = arith.addi %mul3A_36, %add3A_37 : i32
      %get3A = arith.index_cast %add3A_38 : i32 to index
      %get3A_39 = arith.constant 0 : index
      %get3A_40 = tpu.vector_load %arg7[%get3A, %get3A_39] {strides = array<i32>} : memref<256x16xf32, #tpu.memory_space<vmem>>, vector<1x16xf32>,
      %get3A_41 = vector.shape_cast %get3A_40 : vector<1x16xf32> to vector<16xf32>
      %add3A_42 = arith.constant 32 : i32
      %add3A_43 = arith.addi %add3A_42, %scan3A_34 : i32
      %swap3A = arith.constant 0 : i32
      %swap3A_44 = arith.index_cast %add3A_43 : i32 to index
      %swap3A_45 = arith.index_cast %swap3A : i32 to index
      %swap3A_46 = arith.constant 0 : index
      %swap3A_47 = tpu.vector_load %arg8[%swap3A_44, %swap3A_45, %swap3A_46] {strides = array<i32>} : memref<64x8x128xf32, #tpu.memory_space<vmem>>, vector<1x1x16xf32>,
      %swap3A_48 = vector.shape_cast %swap3A_47 : vector<1x1x16xf32> to vector<16xf32>
      %swap3A_49 = vector.shape_cast %get3A_41 : vector<16xf32> to vector<1x1x16xf32>
      tpu.vector_store %arg8[%swap3A_44, %swap3A_45, %swap3A_46], %swap3A_49 {strides = array<i32>} : memref<64x8x128xf32, #tpu.memory_space<vmem>>, vector<1x1x16xf32>,
      %mul3A_50 = arith.constant 8 : i32
      %mul3A_51 = arith.muli %scan3A_34, %mul3A_50 : i32
      %add3A_52 = arith.constant 1 : i32
      %add3A_53 = arith.addi %mul3A_51, %add3A_52 : i32
      %get3A_54 = arith.index_cast %add3A_53 : i32 to index
      %get3A_55 = arith.constant 0 : index
      %get3A_56 = tpu.vector_load %arg7[%get3A_54, %get3A_55] {strides = array<i32>} : memref<256x16xf32, #tpu.memory_space<vmem>>, vector<1x16xf32>,
      %get3A_57 = vector.shape_cast %get3A_56 : vector<1x16xf32> to vector<16xf32>
      %add3A_58 = arith.constant 32 : i32
      %add3A_59 = arith.addi %add3A_58, %scan3A_34 : i32
      %swap3A_60 = arith.constant 1 : i32
      %swap3A_61 = arith.index_cast %add3A_59 : i32 to index
      %swap3A_62 = arith.index_cast %swap3A_60 : i32 to index
      %swap3A_63 = arith.constant 0 : index
      %swap3A_64 = tpu.vector_load %arg8[%swap3A_61, %swap3A_62, %swap3A_63] {strides = array<i32>} : memref<64x8x128xf32, #tpu.memory_space<vmem>>, vector<1x1x16xf32>,
      %swap3A_65 = vector.shape_cast %swap3A_64 : vector<1x1x16xf32> to vector<16xf32>
      %swap3A_66 = vector.shape_cast %get3A_57 : vector<16xf32> to vector<1x1x16xf32>
      tpu.vector_store %arg8[%swap3A_61, %swap3A_62, %swap3A_63], %swap3A_66 {strides = array<i32>} : memref<64x8x128xf32, #tpu.memory_space<vmem>>, vector<1x1x16xf32>,
      %mul3A_67 = arith.constant 8 : i32
      %mul3A_68 = arith.muli %scan3A_34, %mul3A_67 : i32
      %add3A_69 = arith.constant 2 : i32
      %add3A_70 = arith.addi %mul3A_68, %add3A_69 : i32
      %get3A_71 = arith.index_cast %add3A_70 : i32 to index
      %get3A_72 = arith.constant 0 : index
      %get3A_73 = tpu.vector_load %arg7[%get3A_71, %get3A_72] {strides = array<i32>} : memref<256x16xf32, #tpu.memory_space<vmem>>, vector<1x16xf32>,
      %get3A_74 = vector.shape_cast %get3A_73 : vector<1x16xf32> to vector<16xf32>
      %add3A_75 = arith.constant 32 : i32
      %add3A_76 = arith.addi %add3A_75, %scan3A_34 : i32
      %swap3A_77 = arith.constant 2 : i32
      %swap3A_78 = arith.index_cast %add3A_76 : i32 to index
      %swap3A_79 = arith.index_cast %swap3A_77 : i32 to index
      %swap3A_80 = arith.constant 0 : index
      %swap3A_81 = tpu.vector_load %arg8[%swap3A_78, %swap3A_79, %swap3A_80] {strides = array<i32>} : memref<64x8x128xf32, #tpu.memory_space<vmem>>, vector<1x1x16xf32>,
      %swap3A_82 = vector.shape_cast %swap3A_81 : vector<1x1x16xf32> to vector<16xf32>
      %swap3A_83 = vector.shape_cast %get3A_74 : vector<16xf32> to vector<1x1x16xf32>
      tpu.vector_store %arg8[%swap3A_78, %swap3A_79, %swap3A_80], %swap3A_83 {strides = array<i32>} : memref<64x8x128xf32, #tpu.memory_space<vmem>>, vector<1x1x16xf32>,
      %mul3A_84 = arith.constant 8 : i32
      %mul3A_85 = arith.muli %scan3A_34, %mul3A_84 : i32
      %add3A_86 = arith.constant 3 : i32
      %add3A_87 = arith.addi %mul3A_85, %add3A_86 : i32
      %get3A_88 = arith.index_cast %add3A_87 : i32 to index
      %get3A_89 = arith.constant 0 : index
      %get3A_90 = tpu.vector_load %arg7[%get3A_88, %get3A_89] {strides = array<i32>} : memref<256x16xf32, #tpu.memory_space<vmem>>, vector<1x16xf32>,
      %get3A_91 = vector.shape_cast %get3A_90 : vector<1x16xf32> to vector<16xf32>
      %add3A_92 = arith.constant 32 : i32
      %add3A_93 = arith.addi %add3A_92, %scan3A_34 : i32
      %swap3A_94 = arith.constant 3 : i32
      %swap3A_95 = arith.index_cast %add3A_93 : i32 to index
      %swap3A_96 = arith.index_cast %swap3A_94 : i32 to index
      %swap3A_97 = arith.constant 0 : index
      %swap3A_98 = tpu.vector_load %arg8[%swap3A_95, %swap3A_96, %swap3A_97] {strides = array<i32>} : memref<64x8x128xf32, #tpu.memory_space<vmem>>, vector<1x1x16xf32>,
      %swap3A_99 = vector.shape_cast %swap3A_98 : vector<1x1x16xf32> to vector<16xf32>
      %swap3A_100 = vector.shape_cast %get3A_91 : vector<16xf32> to vector<1x1x16xf32>
      tpu.vector_store %arg8[%swap3A_95, %swap3A_96, %swap3A_97], %swap3A_100 {strides = array<i32>} : memref<64x8x128xf32, #tpu.memory_space<vmem>>, vector<1x1x16xf32>,
      %mul3A_101 = arith.constant 8 : i32
      %mul3A_102 = arith.muli %scan3A_34, %mul3A_101 : i32
      %add3A_103 = arith.constant 4 : i32
      %add3A_104 = arith.addi %mul3A_102, %add3A_103 : i32
      %get3A_105 = arith.index_cast %add3A_104 : i32 to index
      %get3A_106 = arith.constant 0 : index
      %get3A_107 = tpu.vector_load %arg7[%get3A_105, %get3A_106] {strides = array<i32>} : memref<256x16xf32, #tpu.memory_space<vmem>>, vector<1x16xf32>,
      %get3A_108 = vector.shape_cast %get3A_107 : vector<1x16xf32> to vector<16xf32>
      %add3A_109 = arith.constant 32 : i32
      %add3A_110 = arith.addi %add3A_109, %scan3A_34 : i32
      %swap3A_111 = arith.constant 4 : i32
      %swap3A_112 = arith.index_cast %add3A_110 : i32 to index
      %swap3A_113 = arith.index_cast %swap3A_111 : i32 to index
      %swap3A_114 = arith.constant 0 : index
      %swap3A_115 = tpu.vector_load %arg8[%swap3A_112, %swap3A_113, %swap3A_114] {strides = array<i32>} : memref<64x8x128xf32, #tpu.memory_space<vmem>>, vector<1x1x16xf32>,
      %swap3A_116 = vector.shape_cast %swap3A_115 : vector<1x1x16xf32> to vector<16xf32>
      %swap3A_117 = vector.shape_cast %get3A_108 : vector<16xf32> to vector<1x1x16xf32>
      tpu.vector_store %arg8[%swap3A_112, %swap3A_113, %swap3A_114], %swap3A_117 {strides = array<i32>} : memref<64x8x128xf32, #tpu.memory_space<vmem>>, vector<1x1x16xf32>,
      %mul3A_118 = arith.constant 8 : i32
      %mul3A_119 = arith.muli %scan3A_34, %mul3A_118 : i32
      %add3A_120 = arith.constant 5 : i32
      %add3A_121 = arith.addi %mul3A_119, %add3A_120 : i32
      %get3A_122 = arith.index_cast %add3A_121 : i32 to index
      %get3A_123 = arith.constant 0 : index
      %get3A_124 = tpu.vector_load %arg7[%get3A_122, %get3A_123] {strides = array<i32>} : memref<256x16xf32, #tpu.memory_space<vmem>>, vector<1x16xf32>,
      %get3A_125 = vector.shape_cast %get3A_124 : vector<1x16xf32> to vector<16xf32>
      %add3A_126 = arith.constant 32 : i32
      %add3A_127 = arith.addi %add3A_126, %scan3A_34 : i32
      %swap3A_128 = arith.constant 5 : i32
      %swap3A_129 = arith.index_cast %add3A_127 : i32 to index
      %swap3A_130 = arith.index_cast %swap3A_128 : i32 to index
      %swap3A_131 = arith.constant 0 : index
      %swap3A_132 = tpu.vector_load %arg8[%swap3A_129, %swap3A_130, %swap3A_131] {strides = array<i32>} : memref<64x8x128xf32, #tpu.memory_space<vmem>>, vector<1x1x16xf32>,
      %swap3A_133 = vector.shape_cast %swap3A_132 : vector<1x1x16xf32> to vector<16xf32>
      %swap3A_134 = vector.shape_cast %get3A_125 : vector<16xf32> to vector<1x1x16xf32>
      tpu.vector_store %arg8[%swap3A_129, %swap3A_130, %swap3A_131], %swap3A_134 {strides = array<i32>} : memref<64x8x128xf32, #tpu.memory_space<vmem>>, vector<1x1x16xf32>,
      %mul3A_135 = arith.constant 8 : i32
      %mul3A_136 = arith.muli %scan3A_34, %mul3A_135 : i32
      %add3A_137 = arith.constant 6 : i32
      %add3A_138 = arith.addi %mul3A_136, %add3A_137 : i32
      %get3A_139 = arith.index_cast %add3A_138 : i32 to index
      %get3A_140 = arith.constant 0 : index
      %get3A_141 = tpu.vector_load %arg7[%get3A_139, %get3A_140] {strides = array<i32>} : memref<256x16xf32, #tpu.memory_space<vmem>>, vector<1x16xf32>,
      %get3A_142 = vector.shape_cast %get3A_141 : vector<1x16xf32> to vector<16xf32>
      %add3A_143 = arith.constant 32 : i32
      %add3A_144 = arith.addi %add3A_143, %scan3A_34 : i32
      %swap3A_145 = arith.constant 6 : i32
      %swap3A_146 = arith.index_cast %add3A_144 : i32 to index
      %swap3A_147 = arith.index_cast %swap3A_145 : i32 to index
      %swap3A_148 = arith.constant 0 : index
      %swap3A_149 = tpu.vector_load %arg8[%swap3A_146, %swap3A_147, %swap3A_148] {strides = array<i32>} : memref<64x8x128xf32, #tpu.memory_space<vmem>>, vector<1x1x16xf32>,
      %swap3A_150 = vector.shape_cast %swap3A_149 : vector<1x1x16xf32> to vector<16xf32>
      %swap3A_151 = vector.shape_cast %get3A_142 : vector<16xf32> to vector<1x1x16xf32>
      tpu.vector_store %arg8[%swap3A_146, %swap3A_147, %swap3A_148], %swap3A_151 {strides = array<i32>} : memref<64x8x128xf32, #tpu.memory_space<vmem>>, vector<1x1x16xf32>,
      %mul3A_152 = arith.constant 8 : i32
      %mul3A_153 = arith.muli %scan3A_34, %mul3A_152 : i32
      %add3A_154 = arith.constant 7 : i32
      %add3A_155 = arith.addi %mul3A_153, %add3A_154 : i32
      %get3A_156 = arith.index_cast %add3A_155 : i32 to index
      %get3A_157 = arith.constant 0 : index
      %get3A_158 = tpu.vector_load %arg7[%get3A_156, %get3A_157] {strides = array<i32>} : memref<256x16xf32, #tpu.memory_space<vmem>>, vector<1x16xf32>,
      %get3A_159 = vector.shape_cast %get3A_158 : vector<1x16xf32> to vector<16xf32>
      %add3A_160 = arith.constant 32 : i32
      %add3A_161 = arith.addi %add3A_160, %scan3A_34 : i32
      %swap3A_162 = arith.constant 7 : i32
      %swap3A_163 = arith.index_cast %add3A_161 : i32 to index
      %swap3A_164 = arith.index_cast %swap3A_162 : i32 to index
      %swap3A_165 = arith.constant 0 : index
      %swap3A_166 = tpu.vector_load %arg8[%swap3A_163, %swap3A_164, %swap3A_165] {strides = array<i32>} : memref<64x8x128xf32, #tpu.memory_space<vmem>>, vector<1x1x16xf32>,
      %swap3A_167 = vector.shape_cast %swap3A_166 : vector<1x1x16xf32> to vector<16xf32>
      %swap3A_168 = vector.shape_cast %get3A_159 : vector<16xf32> to vector<1x1x16xf32>
      tpu.vector_store %arg8[%swap3A_163, %swap3A_164, %swap3A_165], %swap3A_168 {strides = array<i32>} : memref<64x8x128xf32, #tpu.memory_space<vmem>>, vector<1x1x16xf32>,
    }
    %scan3A_31 = arith.constant 32 : i32
    %mul3A_32 = arith.constant 64 : i32
    %mul3A_33 = arith.muli %add3A, %mul3A_32 : i32
    "tpu.region"() ({
      %run_scoped3A = tpu.sem_alloc : memref<!tpu.dma_semaphore, #tpu.memory_space<semaphore_mem>>
      %dma_start3A_34 = arith.constant 0 : i32
      %dma_start3A_35 = arith.constant 0 : i32
      %dma_start3A_36 = tpu.memref_slice %arg4[%mul3A_33, %dma_start3A_34, %dma_start3A_35] : memref<2048x8x128xf32, #tpu.memory_space<hbm>> -> memref<64x8x128xf32, #tpu.memory_space<hbm>>
      %dma_start3A_37 = arith.constant 0 : i32
      %dma_start3A_38 = arith.constant 0 : i32
      %dma_start3A_39 = tpu.memref_slice %arg4[%mul3A_33, %dma_start3A_37, %dma_start3A_38] : memref<2048x8x128xf32, #tpu.memory_space<hbm>> -> memref<64x8x128xf32, #tpu.memory_space<hbm>>
      tpu.enqueue_dma source(%arg8 : memref<64x8x128xf32, #tpu.memory_space<vmem>>) target(%dma_start3A_39 : memref<64x8x128xf32, #tpu.memory_space<hbm>>) target_semaphore(%run_scoped3A : memref<!tpu.dma_semaphore, #tpu.memory_space<semaphore_mem>>)
      %dma_wait3A_40 = arith.constant 0 : i32
      %dma_wait3A_41 = arith.constant 0 : i32
      %dma_wait3A_42 = tpu.memref_slice %arg4[%mul3A_33, %dma_wait3A_40, %dma_wait3A_41] : memref<2048x8x128xf32, #tpu.memory_space<hbm>> -> memref<64x8x128xf32, #tpu.memory_space<hbm>>
      %dma_wait3A_43 = arith.constant 0 : i32
      %dma_wait3A_44 = arith.constant 0 : i32
      %dma_wait3A_45 = tpu.memref_slice %arg4[%mul3A_33, %dma_wait3A_43, %dma_wait3A_44] : memref<2048x8x128xf32, #tpu.memory_space<hbm>> -> memref<64x8x128xf32, #tpu.memory_space<hbm>>
      tpu.wait_dma2 semaphore(%run_scoped3A : memref<!tpu.dma_semaphore, #tpu.memory_space<semaphore_mem>>) src(%arg8 : memref<64x8x128xf32, #tpu.memory_space<vmem>>) dst(%dma_wait3A_45 : memref<64x8x128xf32, #tpu.memory_space<hbm>>)
      tpu.yield
    }) : () -> ()
    return
  }
}

module attributes {stable_mosaic.version = 14 : i64} {
  func.func @_repack_m_body(%arg0: i32, %arg1: memref<16x25600xf32, #tpu.memory_space<vmem>>, %arg2: memref<16x128xf32, #tpu.memory_space<vmem>>, %arg3: memref<8x128xf32, #tpu.memory_space<vmem>>, %arg4: memref<3200x128xf32, #tpu.memory_space<vmem>>) attributes {dimension_semantics = [#tpu.dimension_semantics<arbitrary>], iteration_bounds = array<i64: 4>, scalar_prefetch = 0 : i64, scratch_operands = 0 : i64, tpu.core_type = #tpu.core_type<tc>, window_params = [{transform_indices = @transform_0, window_bounds = array<i64: 16, 25600>}, {pipeline_mode = #tpu.pipeline_mode<synchronous>, transform_indices = @transform_1, window_bounds = array<i64: 16, 128>}, {pipeline_mode = #tpu.pipeline_mode<synchronous>, transform_indices = @transform_2, window_bounds = array<i64: 8, 128>}, {transform_indices = @transform_3, window_bounds = array<i64: 3200, 128>}]} {
    %get3A = arith.constant 0 : index
    %get3A_0 = arith.constant 0 : index
    %get3A_1 = vector.load %arg1[%get3A, %get3A_0] : memref<16x25600xf32, #tpu.memory_space<vmem>>, vector<16x25600xf32>
    %get3A_2 = arith.constant 0 : index
    %get3A_3 = arith.constant 0 : index
    %get3A_4 = vector.load %arg2[%get3A_2, %get3A_3] : memref<16x128xf32, #tpu.memory_space<vmem>>, vector<16x128xf32>
    %dot_general3A = arith.constant dense<0.000000e+00> : vector<25600x128xf32>
    %dot_general3A_5 = tpu.matmul %get3A_1, %get3A_4, %dot_general3A {dimension_numbers = #tpu.dot_dimension_numbers<[0], [0], [1], [1], [0, 1, 1, 1], [], []>, transpose_lhs_hint = false} : vector<16x25600xf32>, vector<16x128xf32>, vector<25600x128xf32> -> vector<25600x128xf32>
    %reshape3A = vector.shape_cast %dot_general3A_5 : vector<25600x128xf32> to vector<3200x8x128xf32>
    %get3A_6 = arith.constant 0 : index
    %get3A_7 = arith.constant 0 : index
    %get3A_8 = vector.load %arg3[%get3A_6, %get3A_7] : memref<8x128xf32, #tpu.memory_space<vmem>>, vector<8x128xf32>
    %broadcast_in_dim3A = vector.shape_cast %get3A_8 : vector<8x128xf32> to vector<1x8x128xf32>
    %mul3A = vector.broadcast %broadcast_in_dim3A : vector<1x8x128xf32> to vector<3200x8x128xf32>
    %mul3A_9 = arith.mulf %reshape3A, %mul3A : vector<3200x8x128xf32>
    %reduce_sum3A = arith.constant dense<0.000000e+00> : vector<3200x128xf32>
    %reduce_sum3A_10 = vector.multi_reduction <add>, %mul3A_9, %reduce_sum3A [1] : vector<3200x8x128xf32> to vector<3200x128xf32>
    %swap3A = arith.constant 0 : index
    %swap3A_11 = arith.constant 0 : index
    %swap3A_12 = vector.load %arg4[%swap3A, %swap3A_11] : memref<3200x128xf32, #tpu.memory_space<vmem>>, vector<3200x128xf32>
    tpu.vector_store %arg4[%swap3A, %swap3A_11], %reduce_sum3A_10 {strides = array<i32>} : memref<3200x128xf32, #tpu.memory_space<vmem>>, vector<3200x128xf32>,
    return
  }
  func.func @transform_0(%arg0: i32) -> (i32, i32) {
    %c0_i32 = arith.constant 0 : i32
    %c0_i32_0 = arith.constant 0 : i32
    return %c0_i32, %arg0 : i32, i32
  }
  func.func @transform_1(%arg0: i32) -> (i32, i32) {
    %c0_i32 = arith.constant 0 : i32
    %c0_i32_0 = arith.constant 0 : i32
    %c0_i32_1 = arith.constant 0 : i32
    return %c0_i32, %c0_i32_0 : i32, i32
  }
  func.func @transform_2(%arg0: i32) -> (i32, i32) {
    %c0_i32 = arith.constant 0 : i32
    %c0_i32_0 = arith.constant 0 : i32
    %c0_i32_1 = arith.constant 0 : i32
    return %c0_i32, %c0_i32_0 : i32, i32
  }
  func.func @transform_3(%arg0: i32) -> (i32, i32) {
    %c0_i32 = arith.constant 0 : i32
    %c0_i32_0 = arith.constant 0 : i32
    return %arg0, %c0_i32 : i32, i32
  }
}

module attributes {stable_mosaic.version = 14 : i64} {
  func.func @_dot_sigmoid_body(%arg0: i32, %arg1: memref<4096x16xf32, #tpu.memory_space<vmem>>, %arg2: memref<512x8x128xf32, #tpu.memory_space<vmem>>, %arg3: memref<4096xf32, #tpu.memory_space<vmem>>) attributes {dimension_semantics = [#tpu.dimension_semantics<arbitrary>], iteration_bounds = array<i64: 4>, scalar_prefetch = 0 : i64, scratch_operands = 0 : i64, tpu.core_type = #tpu.core_type<tc>, window_params = [{transform_indices = @transform_0, window_bounds = array<i64: 4096, 16>}, {transform_indices = @transform_1, window_bounds = array<i64: 512, 8, 128>}, {transform_indices = @transform_2, window_bounds = array<i64: 4096>}]} {
    %get3A = arith.constant 0 : index
    %get3A_0 = arith.constant 0 : index
    %get3A_1 = arith.constant 0 : index
    %get3A_2 = vector.load %arg2[%get3A, %get3A_0, %get3A_1] : memref<512x8x128xf32, #tpu.memory_space<vmem>>, vector<512x8x128xf32>
    %slice3A = vector.extract_strided_slice %get3A_2 {offsets = [0, 0, 0], sizes = [512, 8, 16], strides = [1, 1, 1]} : vector<512x8x128xf32> to vector<512x8x16xf32>
    %reshape3A = vector.shape_cast %slice3A : vector<512x8x16xf32> to vector<4096x16xf32>
    %get3A_3 = arith.constant 0 : index
    %get3A_4 = arith.constant 0 : index
    %get3A_5 = vector.load %arg1[%get3A_3, %get3A_4] : memref<4096x16xf32, #tpu.memory_space<vmem>>, vector<4096x16xf32>
    %mul3A = arith.mulf %get3A_5, %reshape3A : vector<4096x16xf32>
    %reduce_sum3A = arith.constant dense<0.000000e+00> : vector<4096xf32>
    %reduce_sum3A_6 = vector.multi_reduction <add>, %mul3A, %reduce_sum3A [1] : vector<4096x16xf32> to vector<4096xf32>
    %neg3A = arith.constant 0.000000e+00 : f32
    %neg3A_7 = vector.broadcast %neg3A : f32 to vector<4096xf32>
    %neg3A_8 = arith.subf %neg3A_7, %reduce_sum3A_6 : vector<4096xf32>
    %exp3A = math.exp %neg3A_8 : vector<4096xf32>
    %add3A = arith.constant 1.000000e+00 : f32
    %add3A_9 = vector.broadcast %add3A : f32 to vector<4096xf32>
    %add3A_10 = arith.addf %add3A_9, %exp3A : vector<4096xf32>
    %div3A = arith.constant 1.000000e+00 : f32
    %div3A_11 = vector.broadcast %div3A : f32 to vector<4096xf32>
    %div3A_12 = arith.divf %div3A_11, %add3A_10 : vector<4096xf32>
    %swap3A = arith.constant 0 : index
    %swap3A_13 = vector.load %arg3[%swap3A] : memref<4096xf32, #tpu.memory_space<vmem>>, vector<4096xf32>
    tpu.vector_store %arg3[%swap3A], %div3A_12 {strides = array<i32>} : memref<4096xf32, #tpu.memory_space<vmem>>, vector<4096xf32>,
    return
  }
  func.func @transform_0(%arg0: i32) -> (i32, i32) {
    %c0_i32 = arith.constant 0 : i32
    %c0_i32_0 = arith.constant 0 : i32
    return %arg0, %c0_i32 : i32, i32
  }
  func.func @transform_1(%arg0: i32) -> (i32, i32, i32) {
    %c0_i32 = arith.constant 0 : i32
    %c0_i32_0 = arith.constant 0 : i32
    %c0_i32_1 = arith.constant 0 : i32
    return %arg0, %c0_i32, %c0_i32_0 : i32, i32, i32
  }
  func.func @transform_2(%arg0: i32) -> i32 {
    %c0_i32 = arith.constant 0 : i32
    return %arg0 : i32
  }
}

</mosaic_0001>

<sc_bundles>
// kernel: kernel.5.cloned.1.call-start
scs
__scs_entry_jumppad:
0x0: {  	(pc) =	sbr.rel $0x88, $3  }
0x1: {  	(tag) =	ssettag $0x0;
	lr =	simm.s32 $0x1  }
0x2: {  	[smem:$0x3F9E] =	sst lr;
	_ =	strace $0xD0000000  }
0x3: {  	_ = 	snop  }
0x4: {  	_ = 	snop  }
0x5: {  	_ = 	snop  }
0x6: {  	_ = 	snop  }
0x7: {  	_ = 	snop  }
__scs_overlays_trampoline_lowered:
0x8: {  	[smem:$0x3FAD] =	sst s0  }
0x9: {  	[smem:$0x3FAE] =	sst s1  }
0xa: {  	[smem:$0x3FAF] =	sst s2  }
0xb: {  	[smem:$0x3FB0] =	sst s3  }
0xc: {  	[smem:$0x3FB1] =	sst s4  }
0xd: {  	[smem:$0x3FB2] =	sst s5  }
0xe: {  	[smem:$0x3FB3] =	sst s6  }
0xf: {  	[smem:$0x3FB4] =	sst s7  }
0x10: {  	[smem:$0x3FB5] =	sst s8  }
0x11: {  	[smem:$0x3FB6] =	sst s9;
	s0 =	simm.s32 @!p0 $0x0  }
0x12: {  	s1 =	sld [smem:$0x3F9C];
	s0 =	simm.s32 @p0 $0x1  }
0x13: {  	[smem:$0x3FB7] =	sst s0;
	s0 =	simm.s32 @!p1 $0x0  }
0x14: {  	s2 =	sld [smem:$0x3F9B];
	s0 =	simm.s32 @p1 $0x1  }
0x15: {  	[smem:$0x3FB8] =	sst s0;
	s0 =	simm.s32 @!p2 $0x0  }
0x16: {  	s3 =	sld [smem:$0x3FDB];
	s0 =	simm.s32 @p2 $0x1  }
0x17: {  	s4 =	simm.s32 $0x1BF5;
	[smem:$0x3FBA] =	sst s0  }
0x18: {  	s0 =	sld [smem:$0x3F9D];
	_ =	swait.ge [sflag:s4], $0x0  }
0x19: {  	s7 =	sld [smem:$0x3F9E]  }
0x1a: {  	s8 =	sadd.s32 $0xFFFFE003, lr  }
0x1b: {  	s9 =	sadd.s32 $0xFFFFFEF7, lr;
	s5 =	simm.s32 $0xFFFFFFFF;
	p2 =	slt.u32 s8, $0xFFFFF086  }
0x1c: {  	p1 =	slt.u32 s9, $0xF7A;
	s5 =	simm.s32 @!p2 $0x0  }
0x1d: {  	s5 =	simm.s32 @p1 $0x1;
	p0 =	seq.s32 s7, s2  }
0x1e: {  	s7 =	smul.u32 @!p0 $0xF7A, s2;
	p2 =	seq.s32 @!p0 s5, $0x0  }
0x1f: {  	s9 =	smul.u32 $0xF7A, s1;
	s8 =	simm.s32 @!p0 $0x1BF5;
	p2 =	por !p2, p0  }
0x20: {  	[sflag:s8] =	ssyncset.s32 @!p0 $0xFFFFF086;
	s6 =	sadd.s32 @!p0 s3, s7;
	s7 =	simm.s32 @!p0 $0x108  }
0x21: {  	s3 =	sadd.s32 s3, s9;
	s6 =	sadd.s32 @!p0 $0x88, s6;
	s7 =	simm.s32 @p2 $0x1082  }
0x22: {  	[simem:s7], [sflag:s8] =	dma.local @!p0 [hbm:s6], $0xF7A  }
0x23: {  	s9 =	sor.u32 $0xD0000000, s2;
	s6 =	simm.s32 $0x108;
	_ =	swait.ge @!p0 [sflag:s8], $0x0  }
0x24: {  	s3 =	sadd.s32 $0x88, s3;
	s6 =	simm.s32 @!p1 $0x1082;
	[sflag:s4] =	ssyncset.s32 $0xFFFFF086  }
0x25: {  	[simem:s6], [sflag:s4] =	dma.local [hbm:s3], $0xF7A  }
0x26: {  	[smem:$0x3F9E] =	sst s1;
	(tag) =	ssettag s2;
	_ =	strace s9  }
0x27: {  	s1 =	sld [smem:$0x3FAE]  }
0x28: {  	s2 =	sld [smem:$0x3FAF]  }
0x29: {  	s4 =	sld [smem:$0x3FB1]  }
0x2a: {  	p0 =	seq.s32 s5, $0x0;
	s5 =	sld [smem:$0x3FB2]  }
0x2b: {  	s6 =	sld [smem:$0x3FB3]  }
0x2c: {  	s7 =	sld [smem:$0x3FB4]  }
0x2d: {  	s3 =	simm.s32 $0x108;
	s8 =	sld [smem:$0x3FB5]  }
0x2e: {  	s3 =	simm.s32 @!p0 $0x1082;
	s9 =	sld [smem:$0x3FB6]  }
0x2f: {  	lr =	sadd.s32 s0, s3;
	s0 =	sld [smem:$0x3FAD]  }
0x30: {  	s3 =	sld [smem:$0x3FB0]  }
0x31: {  	[smem:$0x3FB9] =	sst s10  }
0x32: {  	s10 =	sld [smem:$0x3FB7];
	_ =	sdelay $0x3  }
0x33: {  	p0 =	seq.s32 s10, $0x1;
	s10 =	sld [smem:$0x3FB9];
	_ =	sdelay $0x3  }
0x34: {  	[smem:$0x3FB9] =	sst s10  }
0x35: {  	s10 =	sld [smem:$0x3FB8];
	_ =	sdelay $0x3  }
0x36: {  	p1 =	seq.s32 s10, $0x1;
	s10 =	sld [smem:$0x3FB9];
	_ =	sdelay $0x3  }
0x37: {  	[smem:$0x3FB9] =	sst s10  }
0x38: {  	s10 =	sld [smem:$0x3FBA]  }
0x39: {  	_ = 	snop;
	(pc) =	sbr.ind lr, $3  }
0x3a: {  	_ = 	snop  }
0x3b: {  	_ = 	snop  }
0x3c: {  	p2 =	seq.s32 s10, $0x1;
	s10 =	sld [smem:$0x3FB9]  }
0x3d: {  	_ =	shalt  }
0x3e: {  	_ =	shalt  }
0x3f: {  	_ =	shalt  }
0x40: {  	_ =	shalt  }
0x41: {  	_ =	shalt  }
0x42: {  	_ =	shalt  }
0x43: {  	_ =	shalt  }
0x44: {  	_ =	shalt  }
0x45: {  	_ =	shalt  }
0x46: {  	_ =	shalt  }
0x47: {  	_ =	shalt  }
0x48: {  	_ =	shalt  }
0x49: {  	_ =	shalt  }
0x4a: {  	_ =	shalt  }
0x4b: {  	_ =	shalt  }
0x4c: {  	_ =	shalt  }
0x4d: {  	_ =	shalt  }
0x4e: {  	_ =	shalt  }
0x4f: {  	_ =	shalt  }
0x50: {  	_ =	shalt  }
0x51: {  	_ =	shalt  }
0x52: {  	_ =	shalt  }
0x53: {  	_ =	shalt  }
0x54: {  	_ =	shalt  }
0x55: {  	_ =	shalt  }
0x56: {  	_ =	shalt  }
0x57: {  	_ =	shalt  }
0x58: {  	_ =	shalt  }
0x59: {  	_ =	shalt  }
0x5a: {  	_ =	shalt  }
0x5b: {  	_ =	shalt  }
0x5c: {  	_ =	shalt  }
0x5d: {  	_ =	shalt  }
0x5e: {  	_ =	shalt  }
0x5f: {  	_ =	shalt  }
0x60: {  	_ =	shalt  }
0x61: {  	_ =	shalt  }
0x62: {  	_ =	shalt  }
0x63: {  	_ =	shalt  }
0x64: {  	_ =	shalt  }
0x65: {  	_ =	shalt  }
0x66: {  	_ =	shalt  }
0x67: {  	_ =	shalt  }
0x68: {  	_ =	shalt  }
0x69: {  	_ =	shalt  }
0x6a: {  	_ =	shalt  }
0x6b: {  	_ =	shalt  }
0x6c: {  	_ =	shalt  }
0x6d: {  	_ =	shalt  }
0x6e: {  	_ =	shalt  }
0x6f: {  	_ =	shalt  }
0x70: {  	_ =	shalt  }
0x71: {  	_ =	shalt  }
0x72: {  	_ =	shalt  }
0x73: {  	_ =	shalt  }
0x74: {  	_ =	shalt  }
0x75: {  	_ =	shalt  }
0x76: {  	_ =	shalt  }
0x77: {  	_ =	shalt  }
0x78: {  	_ =	shalt  }
0x79: {  	_ =	shalt  }
0x7a: {  	_ =	shalt  }
0x7b: {  	_ =	shalt  }
0x7c: {  	_ =	shalt  }
0x7d: {  	_ =	shalt  }
0x7e: {  	_ =	shalt  }
0x7f: {  	_ =	shalt  }
0x80: {  	_ =	shalt  }
0x81: {  	_ =	shalt  }
0x82: {  	_ =	shalt  }
0x83: {  	_ =	shalt  }
0x84: {  	_ =	shalt  }
0x85: {  	_ =	shalt  }
0x86: {  	_ =	shalt  }
0x87: {  	_ =	shalt  }
.Lfunc_end0:
.L_simem_size_0:
called_computation_lowered:
.L_overlay_start_0:
0x88: {  	s2 =	sld [smem:$0x3FD9]  }
0x89: {  	s3 =	sld [smem:$0x3FFE];
	_ =	sdelay $0x1  }
0x8a: {  	s1 =	srdreg.scid  }
0x8b: {  	s0 =	sand.u32 $0x1, s1  }
0x8c: {  	s17 =	sshll.u32 s0, $0xA;
	s2 =	sadd.s32 s3, s2  }
0x8d: {  	s2 =	sadd.s32 s2, s17  }
0x8e: {  	[smem:$0x3FC5] =	sst s2  }
0x8f: {  	_ = 	snop  }
0x90: {  	s2 =	sld [smem:$0x3FC8];
	(tm) =	ssettm $0x1  }
0x91: {  	s18 =	sld [smem:$0x3FFB];
	_ =	sdelay $0x3  }
0x92: {  	_ =	strace s18  }
0x93: {  	s3 =	sld [smem:$0x3FFC];
	_ =	sdelay $0x3  }
0x94: {  	_ =	strace s3  }
0x95: {  	s3 =	sld [smem:$0x3FFD];
	_ =	sdelay $0x3  }
0x96: {  	_ =	strace s3  }
0x97: {  	_ =	strace $0x8FFFFFFF  }
0x98: {  	s19 =	sld [smem:$0x3FDB];
	_ =	sdelay $0x1  }
0x99: {  	s4 =	simm.s32 $_scs_section_size  }
0x9a: {  	s5 =	simm.s32 $_size__tile_overlayer_lowered;
	s6 =	simm.s32 $_tile_overlayer_lowered  }
0x9b: {  	s22 =	simm.s32 $0x1BFF;
	s21 =	sshll.u32 s6, $0x1;
	s3 =	sadd.s32 s4, s19  }
0x9c: {  	s7 =	simm.s32 $0x0;
	s20 =	sshll.u32 s5, $0x1;
	s5 =	sadd.s32 s21, s3  }
0x9d: {  	[timem:s7], [sflag:s22] =	dma.local [hbm:s5], s20  }
0x9e: {  	_ =	swait.ge [sflag:s22], s20  }
0x9f: {  	s4 =	ssub.s32 $0x0, s20;
	[sflag:s22] =	ssyncset.done $0x0  }
0xa0: {  	[sflag:s22] =	ssyncadd.s32 s4;
	_ =	sdelay $0x1  }
0xa1: {  	s23 =	simm.s32 $0x1B8B  }
0xa2: {  	_ =	swait.ge [sflag:s23], $0x1  }
0xa3: {  	[sflag:s23] =	ssyncset.done $0x0  }
0xa4: {  	s25 =	simm.s32 $0x1B8E;
	s24 =	sld [smem:$0x3FFE];
	[sflag:s23] =	ssyncadd.s32 $0xFFFFFFFF  }
0xa5: {  	s26 =	simm.s32 $execute0_lowered;
	[smem:$0x3FD2] =	sst s25  }
0xa6: {  	s5 =	sshll.u32 s26, $0x1;
	_ =	strace $0x80000046;
	[dreg:$0x1] =	wrdreg $0xFFFFFFFF  }
0xa7: {  	s28 =	simm.s32 $_size_execute0_lowered;
	s3 =	sadd.s32 s3, s5;
	[dreg:$0x0] =	wrdreg $0x0  }
0xa8: {  	s5 =	sshll.u32 s28, $0x1;
	[dreg:$0x2] =	wrdreg s3  }
0xa9: {  	[dreg:$0x3] =	wrdreg s5  }
0xaa: {  	[dreg:$0x4] =	wrdreg $0xC0  }
0xab: {  	_ =	task [dreg:s7], $0x5FFFF  }
0xac: {  	[dreg:$0x1] =	wrdreg $0xFFFFFFFF  }
0xad: {  	[dreg:$0x0] =	wrdreg $0x60  }
0xae: {  	[dreg:$0x2] =	wrdreg s2  }
0xaf: {  	[dreg:$0x3] =	wrdreg s24  }
0xb0: {  	[dreg:$0x4] =	wrdreg $0x9  }
0xb1: {  	_ =	task.clear_ibuf [dreg:s7], $0x5FFFF;
	_ =	strace $0x90000046  }
0xb2: {  	s29 =	simm.s32 $0x9;
	_ =	strace $0x80000048  }
0xb3: {  	_ =	swait.ge [sflag:s29], $0x1  }
0xb4: {  	[sflag:s29] =	ssyncadd.s32 $0xFFFFFFFF  }
0xb5: {  	_ =	strace $0x90000048  }
0xb6: {  	_ =	sfence  }
0xb7: {  	s30 =	sld [smem:$0x0];
	_ =	sdelay $0x2  }
0xb8: {  	s31 =	sshll.u32 s1, $0xD;
	s1 =	sshrl.u32 s1, $0x2  }
0xb9: {  	s3 =	sand.u32 $0x4000, s31;
	s1 =	sadd.s32 s1, s30  }
0xba: {  	s0 =	sor.u32 s3, s0;
	s1 =	sshll.u32 s1, $0x11  }
0xbb: {  	s0 =	sor.u32 s1, s0  }
0xbc: {  	s0 =	sadd.s32 $0x8F2B, s0  }
0xbd: {  	[sflag:s0] =	ssyncadd.remote.s32 $0x1  }
0xbe: {  	_ =	sfence.sel $0xFFFF  }
0xbf: {  	[dreg:$0x0] =	wrdreg $0xFFFFFFFF;
	(pc) =	sbr.abs _section_cstart, $3  }
0xc0: {  	[dreg:$0x1] =	wrdreg $0xFFFFFFFF  }
0xc1: {  	_ =	task.clear_ibuf [dreg:s7], $0x2FFFF;
	_ =	strace $0x9FFFFFFF  }
0xc2: {  	(tm) =	ssettm $0x7FFFFFFF  }
0xc3: {  	_ =	shalt  }
tec
execute0_lowered:
.L_overlay_start_1:
0x0: {  	(tag) =	ssettag $0x1  }
0x1: {  	s4 =	rddreg [dreg:$0x0]  }
0x2: {  	s5 =	rddreg [dreg:$0x1]  }
0x3: {  	s0 =	rddreg [dreg:$0x2];
	s2 =	simm.s32 $0x0;
	s3 =	srdreg.scid  }
0x4: {  	s1 =	stileid.u32;
	s9 =	simm.s32 $0x200;
	s10 =	simm.s32 $0x1200  }
0x5: {  	s11 =	simm.s32 $0x1;
	s12 =	simm.s32 $0x2;
	s13 =	simm.s32 $0x2200  }
0x6: {  	s14 =	simm.s32 $0x0;
	s6 =	sand.u32 $0x1, s3;
	s30 =	sshll.u32 s1, $0x1  }
0x7: {  	[smem:$0x7FF] =	sst s2;
	s3 =	sadd.s32 $0x1000, s5;
	s7 =	sor.u32 s6, s30  }
0x8: {  	_ =	strace $0x80000047;
	s6 =	ssub.s32 $0x2, s6;
	s8 =	sshll.u32 s7, $0xD  }
0x9: {  	s31 =	sshrl.u32 s6, $0x1;
	s7 =	sshll.u32 s7, $0x6;
	s5 =	sadd.s32 s8, s5  }
0xa: {  	s6 =	ssub.s32 s6, s31;
	s4 =	sadd.s32 s4, s7;
	s7 =	simm.s32 $0x3  }
0xb: {  	s8 =	simm.s32 $0x100;
	s5 =	sadd.s32 $0x33000, s5;
	s6 =	smax.u32 s6, $0x1  }
.LBB2_1:
0xc: {  	[tilespmem:s2], [sflag:$0x3] =	stream.linear.gather [hbm4b:s4+s2], $0x200, $0x38;
	[tilespmem:$0x12200] =	vst v63  }
0xd: {  	_ =	swait.ge [sflag:s7], $0x200  }
0xe: {  	[sflag:s7] =	ssyncset.done $0x0  }
0xf: {  	[sflag:s7] =	ssyncadd.s32 $0xFFFFFE00  }
0x10: {  	[tilespmem:s9], [sflag:$0x1] =	stream.indirect.gather [hbm4b:s3+s8], $0x10, s2, s8, $0xb8;
	[tilespmem:$0x12200] =	vst v63  }
0x11: {  	_ = 	snop  }
0x12: {  	[tilespmem:s10], [sflag:$0x2] =	stream.indirect.gather [hbm4b:s3+s8], $0x10, s8, s8, $0xb8;
	[tilespmem:$0x12200] =	vst v63  }
0x13: {  	_ =	swait.ge [sflag:s11], $0x1000  }
0x14: {  	[sflag:s11] =	ssyncset.done $0x0  }
0x15: {  	s16 =	simm.s32 $0x0;
	[sflag:s11] =	ssyncadd.s32 $0xFFFFF000  }
0x16: {  	v0 =	vld [tilespmem:s16+$0x200];
	_ =	sdelay $0x3  }
0x17: {  	s15 =	simm.s32 $0x2400  }
0x18: {  	[tilespmem:s15+$0xFFFFFE00] =	vst v0  }
0x19: {  	v0 =	vld [tilespmem:s16+$0x210];
	_ =	sdelay $0x4  }
0x1a: {  	[tilespmem:s15+$0xFFFFFE80] =	vst v0  }
0x1b: {  	v0 =	vld [tilespmem:s16+$0x220];
	_ =	sdelay $0x4  }
0x1c: {  	[tilespmem:s15+$0xFFFFFF00] =	vst v0  }
0x1d: {  	v0 =	vld [tilespmem:s16+$0x230];
	_ =	sdelay $0x4  }
0x1e: {  	[tilespmem:s15+$0xFFFFFF80] =	vst v0  }
0x1f: {  	v0 =	vld [tilespmem:s16+$0x240];
	_ =	sdelay $0x4  }
0x20: {  	[tilespmem:s15+$0x0] =	vst v0  }
0x21: {  	v0 =	vld [tilespmem:s16+$0x250];
	_ =	sdelay $0x4  }
0x22: {  	[tilespmem:s15+$0x80] =	vst v0  }
0x23: {  	v0 =	vld [tilespmem:s16+$0x260];
	_ =	sdelay $0x4  }
0x24: {  	[tilespmem:s15+$0x100] =	vst v0  }
0x25: {  	v0 =	vld [tilespmem:s16+$0x270];
	_ =	sdelay $0x4  }
0x26: {  	s17 =	simm.s32 $0x400;
	s16 =	simm.s32 $0x80;
	[tilespmem:s15+$0x180] =	vst v0  }
.LBB2_2:
0x27: {  	p0 =	sne.s32 s17, $0x3E00;
	v0 =	vld [tilespmem:s16+$0x200];
	_ =	sdelay $0x3  }
0x28: {  	s15 =	sadd.s32 $0x400, s15  }
0x29: {  	[tilespmem:s15+$0xFFFFFE00] =	vst v0  }
0x2a: {  	v0 =	vld [tilespmem:s16+$0x210];
	_ =	sdelay $0x4  }
0x2b: {  	[tilespmem:s15+$0xFFFFFE80] =	vst v0  }
0x2c: {  	v0 =	vld [tilespmem:s16+$0x220];
	_ =	sdelay $0x4  }
0x2d: {  	[tilespmem:s15+$0xFFFFFF00] =	vst v0  }
0x2e: {  	v0 =	vld [tilespmem:s16+$0x230];
	_ =	sdelay $0x4  }
0x2f: {  	[tilespmem:s15+$0xFFFFFF80] =	vst v0  }
0x30: {  	v0 =	vld [tilespmem:s16+$0x240];
	_ =	sdelay $0x4  }
0x31: {  	[tilespmem:s15+$0x0] =	vst v0  }
0x32: {  	v0 =	vld [tilespmem:s16+$0x250];
	_ =	sdelay $0x4  }
0x33: {  	[tilespmem:s15+$0x80] =	vst v0  }
0x34: {  	v0 =	vld [tilespmem:s16+$0x260];
	_ =	sdelay $0x4  }
0x35: {  	[tilespmem:s15+$0x100] =	vst v0  }
0x36: {  	v0 =	vld [tilespmem:s16+$0x270]  }
.Ltmp0:
0x37: {  	(pc) =	sbr.rel @p0 .LBB2_2-.Ltmp0, $2  }
0x38: {  	_ =	sdelay $0x2  }
0x39: {  	s16 =	sshra.s32 s17, $0x2;
	s17 =	sadd.s32 $0x200, s17;
	[tilespmem:s15+$0x180] =	vst v0  }
0x3a: {  	v0 =	vld [tilespmem:s16+$0x200];
	_ =	sdelay $0x3  }
0x3b: {  	s15 =	sadd.s32 $0x400, s15  }
0x3c: {  	[tilespmem:s15+$0xFFFFFE00] =	vst v0  }
0x3d: {  	v0 =	vld [tilespmem:s16+$0x210];
	_ =	sdelay $0x4  }
0x3e: {  	[tilespmem:s15+$0xFFFFFE80] =	vst v0  }
0x3f: {  	v0 =	vld [tilespmem:s16+$0x220];
	_ =	sdelay $0x4  }
0x40: {  	[tilespmem:s15+$0xFFFFFF00] =	vst v0  }
0x41: {  	v0 =	vld [tilespmem:s16+$0x230];
	_ =	sdelay $0x4  }
0x42: {  	[tilespmem:s15+$0xFFFFFF80] =	vst v0  }
0x43: {  	v0 =	vld [tilespmem:s16+$0x240];
	_ =	sdelay $0x4  }
0x44: {  	[tilespmem:s15+$0x0] =	vst v0  }
0x45: {  	v0 =	vld [tilespmem:s16+$0x250];
	_ =	sdelay $0x4  }
0x46: {  	[tilespmem:s15+$0x80] =	vst v0  }
0x47: {  	v0 =	vld [tilespmem:s16+$0x260];
	_ =	sdelay $0x4  }
0x48: {  	[tilespmem:s15+$0x100] =	vst v0  }
0x49: {  	v0 =	vld [tilespmem:s16+$0x270];
	_ =	sdelay $0x4  }
0x4a: {  	[tilespmem:s15+$0x180] =	vst v0  }
0x4b: {  	_ =	swait.ge [sflag:s12], $0x1000  }
0x4c: {  	[sflag:s12] =	ssyncset.done $0x0  }
0x4d: {  	s15 =	simm.s32 $0x1240;
	[sflag:s12] =	ssyncadd.s32 $0xFFFFF000  }
0x4e: {  	s17 =	simm.s32 $0x1000;
	s16 =	simm.s32 $0x0;
	v0 =	vld [tilespmem:s15+$0xFFFFFFC0]  }
.LBB2_4:
0x4f: {  	p0 =	sne.s32 s17, $0x1F000;
	_ =	sdelay $0x2  }
0x50: {  	s18 =	sshra.s32 s16, $0x2;
	s16 =	smov.u32 s17  }
0x51: {  	[tilespmem:s18+$0xA200] =	vst v0  }
0x52: {  	v0 =	vld [tilespmem:s15+$0xFFFFFFD0];
	_ =	sdelay $0x4  }
0x53: {  	[tilespmem:s18+$0xA280] =	vst v0  }
0x54: {  	v0 =	vld [tilespmem:s15+$0xFFFFFFE0];
	_ =	sdelay $0x4  }
0x55: {  	[tilespmem:s18+$0xA300] =	vst v0  }
0x56: {  	v0 =	vld [tilespmem:s15+$0xFFFFFFF0];
	_ =	sdelay $0x4  }
0x57: {  	[tilespmem:s18+$0xA380] =	vst v0  }
0x58: {  	v0 =	vld [tilespmem:s15+$0x0];
	_ =	sdelay $0x4  }
0x59: {  	[tilespmem:s18+$0xA400] =	vst v0  }
0x5a: {  	v0 =	vld [tilespmem:s15+$0x10];
	_ =	sdelay $0x4  }
0x5b: {  	[tilespmem:s18+$0xA480] =	vst v0  }
0x5c: {  	v0 =	vld [tilespmem:s15+$0x20];
	_ =	sdelay $0x4  }
0x5d: {  	[tilespmem:s18+$0xA500] =	vst v0  }
0x5e: {  	v0 =	vld [tilespmem:s15+$0x30];
	_ =	sdelay $0x1  }
.Ltmp1:
0x5f: {  	(pc) =	sbr.rel @p0 .LBB2_4-.Ltmp1, $3  }
0x60: {  	_ =	sdelay $0x1  }
0x61: {  	s15 =	sadd.s32 $0x80, s15;
	[tilespmem:s18+$0xA580] =	vst v0  }
0x62: {  	s17 =	sadd.s32 $0x1000, s17;
	v0 =	vld [tilespmem:s15+$0xFFFFFFC0]  }
0x63: {  	_ =	sdelay $0x2  }
0x64: {  	s16 =	sshra.s32 s16, $0x2  }
0x65: {  	[tilespmem:s16+$0xA200] =	vst v0  }
0x66: {  	v0 =	vld [tilespmem:s15+$0xFFFFFFD0];
	_ =	sdelay $0x4  }
0x67: {  	[tilespmem:s16+$0xA280] =	vst v0  }
0x68: {  	v0 =	vld [tilespmem:s15+$0xFFFFFFE0];
	_ =	sdelay $0x4  }
0x69: {  	[tilespmem:s16+$0xA300] =	vst v0  }
0x6a: {  	v0 =	vld [tilespmem:s15+$0xFFFFFFF0];
	_ =	sdelay $0x4  }
0x6b: {  	[tilespmem:s16+$0xA380] =	vst v0  }
0x6c: {  	v0 =	vld [tilespmem:s15+$0x0];
	_ =	sdelay $0x4  }
0x6d: {  	[tilespmem:s16+$0xA400] =	vst v0  }
0x6e: {  	v0 =	vld [tilespmem:s15+$0x10];
	_ =	sdelay $0x4  }
0x6f: {  	[tilespmem:s16+$0xA480] =	vst v0  }
0x70: {  	v0 =	vld [tilespmem:s15+$0x20];
	_ =	sdelay $0x4  }
0x71: {  	[tilespmem:s16+$0xA500] =	vst v0  }
0x72: {  	v0 =	vld [tilespmem:s15+$0x30];
	_ =	sdelay $0x2  }
0x73: {  	s14 =	sadd.s32 $0x1, s14  }
0x74: {  	p0 =	sne.s32 s14, s6  }
.Ltmp2:
0x75: {  	[tilespmem:s16+$0xA580] =	vst v0;
	(pc) =	sbr.rel @p0 .LBB2_1-.Ltmp2, $4  }
0x76: {  	[hbm4b:s5+s2] =	stream.linear.scatter [tilespmem:s13], [sflag:$0x3], $0x10000, $0x38;
	[tilespmem:$0x12200] =	vst v63  }
0x77: {  	_ =	swait.ge [sflag:s7], $0x10000  }
0x78: {  	[sflag:s7] =	ssyncset.done $0x0  }
0x79: {  	[sflag:s7] =	ssyncadd.s32 $0xFFFF0000  }
0x7a: {  	_ =	sfence.sel $0x180000  }
0x7b: {  	[bflag:$0x0] =	sbarrier.arrive $0xFFFF  }
0x7c: {  	p0 =	sne.s32 s1, $0x0;
	_ =	strace $0x90000047  }
0x7d: {  	s0 =	sadd.s32 @!p0 $0x100000, s0;
	[bflag:$0x2] =	sbarrier.arrive $0xFFFF  }
0x7e: {  	[sflag:s0] =	ssyncadd.tile.s32 @!p0 $0x1;
	_ =	shalt  }
.Lfunc_end2:
_tile_overlayer_lowered:
.L_overlay_start_2:
0x7f: {  	(tag) =	ssettag $0x2  }
0x80: {  	s0 =	rddreg [dreg:$0x0];
	s2 =	stileid.u32  }
0x81: {  	s1 =	rddreg [dreg:$0x1];
	p0 =	sne.s32 s2, $0x0  }
0x82: {  	s3 =	rddreg [dreg:$0x2];
	[bflag:$0x3] =	sbarrier.arrive $0xFFFF;
	s2 =	simm.s32 @!p0 $0x1C03  }
0x83: {  	[timem:s3], [sflag:s2] =	dma.local @!p0 [hbm:s0], s1  }
0x84: {  	s0 =	simm.s32 @!p0 $0x3  }
0x85: {  	_ =	swait.ge @!p0 [sflag:s0], s1  }
0x86: {  	s1 =	ssub.s32 @!p0 $0x0, s1;
	[sflag:s0] =	ssyncset.done @!p0 $0x0  }
0x87: {  	[sflag:s0] =	ssyncadd.s32 @!p0 s1  }
0x88: {  	[bflag:$0x3] =	sbarrier.arrive $0xFFFF  }
0x89: {  	_ =	shalt  }

</sc_bundles>
